<compile_context>
chip_gen: v7x
topology: tpu7x:2x2x1
jax: 0.10.2.dev20260603
libtpu: 0.0.44.dev20260713+nightly
codegen_flags: <defaults>
</compile_context>

<pallas_src>
import functools

import jax
import jax.numpy as jnp
from jax import lax
from jax.experimental import pallas as pl
from jax.experimental.pallas import tpu as pltpu
from jax.experimental.pallas import tpu_sc as plsc

BATCH = 4
N_INSTANCE = 1
LENGTH = 2048
HIDDEN = 1024
ROW_TILE = 2048

NUM_SC = 2
NUM_SUBCORES = 16
NW = NUM_SC * NUM_SUBCORES
ROWS = BATCH * LENGTH
RPW = ROWS // NW
CH = 32
NCH = RPW // CH
LANES = 16
NCOL = HIDDEN // LANES


def _lane_sum(v):
    dnums = lax.GatherDimensionNumbers(
        offset_dims=(), collapsed_slice_dims=(0,), start_index_map=(0,))
    for sh in (8, 4, 2, 1):
        idx = lax.iota(jnp.int32, LANES) ^ sh
        perm = lax.gather(v, idx.reshape(LANES, 1), dnums, slice_sizes=(1,),
                          mode=lax.GatherScatterMode.PROMISE_IN_BOUNDS)
        v = v + perm
    return v


def _sc_body(in_hbm, emb_hbm, s_hbm, b_hbm, out_hbm, xbuf, ebuf, sbuf, bbuf):
    wid = lax.axis_index("s") * NUM_SC + lax.axis_index("c")
    base = wid * RPW
    pltpu.sync_copy(s_hbm, sbuf)
    pltpu.sync_copy(b_hbm, bbuf)

    def chunk_body(ci, _):
        row0 = base + ci * CH
        erow0 = lax.rem(row0, LENGTH)
        pltpu.sync_copy(in_hbm.at[pl.ds(row0, CH)], xbuf)
        pltpu.sync_copy(emb_hbm.at[pl.ds(erow0, CH)], ebuf)

        def row_body(r, _):
            def col_sum(i, carry):
                s, q = carry
                x = xbuf[r, pl.ds(i * LANES, LANES)] + ebuf[r, pl.ds(i * LANES, LANES)]
                xbuf[r, pl.ds(i * LANES, LANES)] = x
                return (s + x, q + x * x)

            z = jnp.zeros((LANES,), jnp.float32)
            s, q = lax.fori_loop(0, NCOL, col_sum, (z, z))
            mv = _lane_sum(s) * (1.0 / HIDDEN)
            msq = _lane_sum(q) * (1.0 / HIDDEN)
            tv = (msq - mv * mv) + 1e-6
            iv = lax.bitcast_convert_type(tv, jnp.int32)
            iv = jnp.int32(0x5F3759DF) - (iv >> 1)
            y = lax.bitcast_convert_type(iv, jnp.float32)
            for _ in range(4):
                y = y * (1.5 - 0.5 * tv * y * y)

            def col_out(i, _):
                sv = sbuf[pl.ds(i * LANES, LANES)]
                bv = bbuf[pl.ds(i * LANES, LANES)]
                x = xbuf[r, pl.ds(i * LANES, LANES)]
                rs = y * sv
                xbuf[r, pl.ds(i * LANES, LANES)] = x * rs + (bv - mv * rs)
                return 0

            lax.fori_loop(0, NCOL, col_out, 0)
            return 0

        lax.fori_loop(0, CH, row_body, 0)
        pltpu.sync_copy(xbuf, out_hbm.at[pl.ds(row0, CH)])
        return 0

    lax.fori_loop(0, NCH, chunk_body, 0)


def _sc_call(inputs2d, embedding, ln_scale, ln_bias):
    mesh = plsc.VectorSubcoreMesh(
        core_axis_name="c", subcore_axis_name="s",
        num_cores=NUM_SC, num_subcores=NUM_SUBCORES)
    run = pl.kernel(
        _sc_body,
        out_type=jax.ShapeDtypeStruct((ROWS, HIDDEN), jnp.float32),
        mesh=mesh,
        scratch_types=[
            pltpu.VMEM((CH, HIDDEN), jnp.float32),
            pltpu.VMEM((CH, HIDDEN), jnp.float32),
            pltpu.VMEM((HIDDEN,), jnp.float32),
            pltpu.VMEM((HIDDEN,), jnp.float32),
        ],
    )
    return run(inputs2d, embedding, ln_scale, ln_bias)


def _ln_body(x_ref, e_ref, s_ref, b_ref, o_ref):
    x = x_ref[0, 0] + e_ref[...]
    inv_n = 1.0 / HIDDEN
    mean = jnp.sum(x, axis=-1, keepdims=True) * inv_n
    msq = jnp.sum(x * x, axis=-1, keepdims=True) * inv_n
    var = msq - mean * mean
    r = jax.lax.rsqrt(var + 1e-6)
    scale = r * s_ref[0]
    shift = b_ref[0] - (r * mean) * s_ref[0]
    o_ref[0, 0] = x * scale + shift


def _tc_call(inputs, embedding, ln_scale, ln_bias):
    grid = (LENGTH // ROW_TILE, BATCH)
    return pl.pallas_call(
        _ln_body,
        grid=grid,
        in_specs=[
            pl.BlockSpec((1, 1, ROW_TILE, HIDDEN), lambda l, b: (b, 0, l, 0)),
            pl.BlockSpec((ROW_TILE, HIDDEN), lambda l, b: (l, 0)),
            pl.BlockSpec((1, HIDDEN), lambda l, b: (0, 0)),
            pl.BlockSpec((1, HIDDEN), lambda l, b: (0, 0)),
        ],
        out_specs=pl.BlockSpec((1, 1, ROW_TILE, HIDDEN), lambda l, b: (b, 0, l, 0)),
        out_shape=jax.ShapeDtypeStruct((BATCH, N_INSTANCE, LENGTH, HIDDEN), jnp.float32),
    )(inputs, embedding, ln_scale.reshape(1, HIDDEN), ln_bias.reshape(1, HIDDEN))


def kernel(inputs, embedding, ln_scale, ln_bias):
    x2 = inputs.reshape(ROWS, HIDDEN)
    out = _sc_call(x2, embedding, ln_scale, ln_bias)
    return out.reshape(BATCH, N_INSTANCE, LENGTH, HIDDEN)

# --- scband reference (transcript-rebuilt; emitter-appended) ---
"""Pipeline reference for scband-temporal-pos-encode-22428319220376 (READ-ONLY COPY).

The authoritative reference and input builder live on the scoring server;
editing this copy changes nothing except your own understanding.
"""

import jax, jax.numpy as jnp
import numpy as np

BATCH = 4
N_INSTANCE = 1
LENGTH = 2048
HIDDEN = 1024
POS_BUCKETS = 2048


def setup_inputs(seed: int = 0) -> dict:
    key = jax.random.key(seed)
    k_in, k_emb = jax.random.split(key, 2)
    inputs = jax.random.normal(k_in, (BATCH, N_INSTANCE, LENGTH, HIDDEN), dtype=jnp.float32)
    # Learned parameters sized per init_kwargs
    embedding = jax.random.normal(k_emb, (POS_BUCKETS, HIDDEN), dtype=jnp.float32) * 0.02
    ln_scale = jnp.ones((HIDDEN,), dtype=jnp.float32)
    ln_bias = jnp.zeros((HIDDEN,), dtype=jnp.float32)
    return {"inputs": inputs, "embedding": embedding, "ln_scale": ln_scale, "ln_bias": ln_bias}


def reference(inputs, embedding, ln_scale, ln_bias):
    pos_buckets = embedding.shape[0]
    # token_coordinate=None path: iota position ids of shape [1, 1, pos_buckets]
    temporal_position_ids = jax.lax.broadcasted_iota(jnp.int32, (1, 1, pos_buckets), 2)
    # Embed.__call__ with spmd_enabled=True: one-hot matmul lookup
    iota = jax.lax.iota(jnp.int32, pos_buckets)
    one_hot = jnp.array(temporal_position_ids[..., jnp.newaxis] == iota, dtype=jnp.float32)
    position_embeddings = jax.lax.dot_general(
        one_hot, embedding, (((one_hot.ndim - 1,), (0,)), ((), ())))
    # position_embeddings: [1, 1, pos_buckets, hidden] broadcasts against inputs
    x = inputs + position_embeddings
    # LayerNorm over the feature axis (flax default epsilon=1e-6)
    mean = jnp.mean(x, axis=-1, keepdims=True)
    var = jnp.mean(jnp.square(x - mean), axis=-1, keepdims=True)
    y = (x - mean) * jax.lax.rsqrt(var + 1e-6)
    y = y * ln_scale + ln_bias
    # Dropout is identity in deterministic mode (deterministic=True)
    return y

if __name__ == "__main__":
    import jax
    _d = setup_inputs()
    print(jax.jit(kernel)(*tuple(_d.values())))

</pallas_src>

<mosaic_0001>
#map = affine_map<(d0, d1) -> (0, 0)>
#map1 = affine_map<(d0, d1) -> (0)>
module attributes {stable_mosaic.version = 14 : i64} {
  func.func @_sc_body(%arg0: i32, %arg1: i32, %arg2: memref<8192x1024xf32, #tpu.memory_space<hbm>>, %arg3: memref<2048x1024xf32, #tpu.memory_space<hbm>>, %arg4: memref<1024xf32, #tpu.memory_space<hbm>>, %arg5: memref<1024xf32, #tpu.memory_space<hbm>>, %arg6: memref<8192x1024xf32, #tpu.memory_space<hbm>>, %arg7: memref<32x1024xf32, #tpu.memory_space<vmem>>, %arg8: memref<32x1024xf32, #tpu.memory_space<vmem>>, %arg9: memref<1024xf32, #tpu.memory_space<vmem>>, %arg10: memref<1024xf32, #tpu.memory_space<vmem>>) attributes {dimension_semantics = [#tpu.dimension_semantics<core_parallel>, #tpu.dimension_semantics<subcore_parallel>], iteration_bounds = array<i64: 2, 16>, scalar_prefetch = 0 : i64, scratch_operands = 4 : i64, tpu.core_type = #tpu.core_type<sc_vector_subcore>, window_params = [{transform_indices = #map}, {transform_indices = #map}, {transform_indices = #map1}, {transform_indices = #map1}, {transform_indices = #map}]} {
    %mul3A = arith.constant 2 : i32
    %mul3A_0 = arith.muli %arg1, %mul3A : i32
    %add3A = arith.addi %mul3A_0, %arg0 : i32
    %mul3A_1 = arith.constant 256 : i32
    %mul3A_2 = arith.muli %add3A, %mul3A_1 : i32
    "tpu.region"() ({
      %run_scoped3A = tpu.sem_alloc : memref<!tpu.dma_semaphore, #tpu.memory_space<semaphore_mem>>
      tpu.enqueue_dma source(%arg4 : memref<1024xf32, #tpu.memory_space<hbm>>) target(%arg9 : memref<1024xf32, #tpu.memory_space<vmem>>) target_semaphore(%run_scoped3A : memref<!tpu.dma_semaphore, #tpu.memory_space<semaphore_mem>>)
      tpu.wait_dma2 semaphore(%run_scoped3A : memref<!tpu.dma_semaphore, #tpu.memory_space<semaphore_mem>>) src(%arg4 : memref<1024xf32, #tpu.memory_space<hbm>>) dst(%arg9 : memref<1024xf32, #tpu.memory_space<vmem>>)
      tpu.yield
    }) : () -> ()
    "tpu.region"() ({
      %run_scoped3A = tpu.sem_alloc : memref<!tpu.dma_semaphore, #tpu.memory_space<semaphore_mem>>
      tpu.enqueue_dma source(%arg5 : memref<1024xf32, #tpu.memory_space<hbm>>) target(%arg10 : memref<1024xf32, #tpu.memory_space<vmem>>) target_semaphore(%run_scoped3A : memref<!tpu.dma_semaphore, #tpu.memory_space<semaphore_mem>>)
      tpu.wait_dma2 semaphore(%run_scoped3A : memref<!tpu.dma_semaphore, #tpu.memory_space<semaphore_mem>>) src(%arg5 : memref<1024xf32, #tpu.memory_space<hbm>>) dst(%arg10 : memref<1024xf32, #tpu.memory_space<vmem>>)
      tpu.yield
    }) : () -> ()
    %scan3A = arith.constant 0 : i32
    %scan3A_3 = arith.constant 0 : i32
    %scan3A_4 = arith.constant 8 : i32
    %scan3A_5 = arith.addi %scan3A_3, %scan3A_4 : i32
    %scan3A_6 = arith.constant 1 : i32
    %scan3A_7 = scf.for %scan3A_9 = %scan3A_3 to %scan3A_5 step %scan3A_6 iter_args(%scan3A_10 = %scan3A) -> (i32)  : i32 {
      %mul3A_11 = arith.constant 32 : i32
      %mul3A_12 = arith.muli %scan3A_9, %mul3A_11 : i32
      %add3A_13 = arith.addi %mul3A_2, %mul3A_12 : i32
      %rem3A = arith.constant 2048 : i32
      %rem3A_14 = arith.remsi %add3A_13, %rem3A : i32
      "tpu.region"() ({
        %run_scoped3A = tpu.sem_alloc : memref<!tpu.dma_semaphore, #tpu.memory_space<semaphore_mem>>
        %dma_start3A = arith.constant 0 : i32
        %dma_start3A_23 = tpu.memref_slice %arg2[%add3A_13, %dma_start3A] : memref<8192x1024xf32, #tpu.memory_space<hbm>> -> memref<32x1024xf32, #tpu.memory_space<hbm>>
        %dma_start3A_24 = arith.constant 0 : i32
        %dma_start3A_25 = tpu.memref_slice %arg2[%add3A_13, %dma_start3A_24] : memref<8192x1024xf32, #tpu.memory_space<hbm>> -> memref<32x1024xf32, #tpu.memory_space<hbm>>
        tpu.enqueue_dma source(%dma_start3A_25 : memref<32x1024xf32, #tpu.memory_space<hbm>>) target(%arg7 : memref<32x1024xf32, #tpu.memory_space<vmem>>) target_semaphore(%run_scoped3A : memref<!tpu.dma_semaphore, #tpu.memory_space<semaphore_mem>>)
        %dma_wait3A = arith.constant 0 : i32
        %dma_wait3A_26 = tpu.memref_slice %arg2[%add3A_13, %dma_wait3A] : memref<8192x1024xf32, #tpu.memory_space<hbm>> -> memref<32x1024xf32, #tpu.memory_space<hbm>>
        %dma_wait3A_27 = arith.constant 0 : i32
        %dma_wait3A_28 = tpu.memref_slice %arg2[%add3A_13, %dma_wait3A_27] : memref<8192x1024xf32, #tpu.memory_space<hbm>> -> memref<32x1024xf32, #tpu.memory_space<hbm>>
        tpu.wait_dma2 semaphore(%run_scoped3A : memref<!tpu.dma_semaphore, #tpu.memory_space<semaphore_mem>>) src(%dma_wait3A_28 : memref<32x1024xf32, #tpu.memory_space<hbm>>) dst(%arg7 : memref<32x1024xf32, #tpu.memory_space<vmem>>)
        tpu.yield
      }) : () -> ()
      "tpu.region"() ({
        %run_scoped3A = tpu.sem_alloc : memref<!tpu.dma_semaphore, #tpu.memory_space<semaphore_mem>>
        %dma_start3A = arith.constant 0 : i32
        %dma_start3A_23 = tpu.memref_slice %arg3[%rem3A_14, %dma_start3A] : memref<2048x1024xf32, #tpu.memory_space<hbm>> -> memref<32x1024xf32, #tpu.memory_space<hbm>>
        %dma_start3A_24 = arith.constant 0 : i32
        %dma_start3A_25 = tpu.memref_slice %arg3[%rem3A_14, %dma_start3A_24] : memref<2048x1024xf32, #tpu.memory_space<hbm>> -> memref<32x1024xf32, #tpu.memory_space<hbm>>
        tpu.enqueue_dma source(%dma_start3A_25 : memref<32x1024xf32, #tpu.memory_space<hbm>>) target(%arg8 : memref<32x1024xf32, #tpu.memory_space<vmem>>) target_semaphore(%run_scoped3A : memref<!tpu.dma_semaphore, #tpu.memory_space<semaphore_mem>>)
        %dma_wait3A = arith.constant 0 : i32
        %dma_wait3A_26 = tpu.memref_slice %arg3[%rem3A_14, %dma_wait3A] : memref<2048x1024xf32, #tpu.memory_space<hbm>> -> memref<32x1024xf32, #tpu.memory_space<hbm>>
        %dma_wait3A_27 = arith.constant 0 : i32
        %dma_wait3A_28 = tpu.memref_slice %arg3[%rem3A_14, %dma_wait3A_27] : memref<2048x1024xf32, #tpu.memory_space<hbm>> -> memref<32x1024xf32, #tpu.memory_space<hbm>>
        tpu.wait_dma2 semaphore(%run_scoped3A : memref<!tpu.dma_semaphore, #tpu.memory_space<semaphore_mem>>) src(%dma_wait3A_28 : memref<32x1024xf32, #tpu.memory_space<hbm>>) dst(%arg8 : memref<32x1024xf32, #tpu.memory_space<vmem>>)
        tpu.yield
      }) : () -> ()
      %scan3A_15 = arith.constant 0 : i32
      %scan3A_16 = arith.constant 0 : i32
      %scan3A_17 = arith.constant 32 : i32
      %scan3A_18 = arith.addi %scan3A_16, %scan3A_17 : i32
      %scan3A_19 = arith.constant 1 : i32
      %scan3A_20 = scf.for %scan3A_23 = %scan3A_16 to %scan3A_18 step %scan3A_19 iter_args(%scan3A_24 = %scan3A_15) -> (i32)  : i32 {
        %broadcast_in_dim3A = arith.constant 0.000000e+00 : f32
        %broadcast_in_dim3A_25 = vector.broadcast %broadcast_in_dim3A : f32 to vector<16xf32>
        %scan3A_26 = arith.constant 0 : i32
        %scan3A_27 = arith.constant 64 : i32
        %scan3A_28 = arith.addi %scan3A_26, %scan3A_27 : i32
        %scan3A_29 = arith.constant 1 : i32
        %scan3A_30:2 = scf.for %scan3A_152 = %scan3A_26 to %scan3A_28 step %scan3A_29 iter_args(%scan3A_153 = %broadcast_in_dim3A_25, %scan3A_154 = %broadcast_in_dim3A_25) -> (vector<16xf32>, vector<16xf32>)  : i32 {
          %mul3A_155 = arith.constant 16 : i32
          %mul3A_156 = arith.muli %scan3A_152, %mul3A_155 : i32
          %get3A = arith.index_cast %scan3A_23 : i32 to index
          %get3A_157 = arith.index_cast %mul3A_156 : i32 to index
          %get3A_158 = tpu.vector_load %arg7[%get3A, %get3A_157] {strides = array<i32>} : memref<32x1024xf32, #tpu.memory_space<vmem>>, vector<1x16xf32>,
          %get3A_159 = vector.shape_cast %get3A_158 : vector<1x16xf32> to vector<16xf32>
          %mul3A_160 = arith.constant 16 : i32
          %mul3A_161 = arith.muli %scan3A_152, %mul3A_160 : i32
          %get3A_162 = arith.index_cast %scan3A_23 : i32 to index
          %get3A_163 = arith.index_cast %mul3A_161 : i32 to index
          %get3A_164 = tpu.vector_load %arg8[%get3A_162, %get3A_163] {strides = array<i32>} : memref<32x1024xf32, #tpu.memory_space<vmem>>, vector<1x16xf32>,
          %get3A_165 = vector.shape_cast %get3A_164 : vector<1x16xf32> to vector<16xf32>
          %add3A_166 = arith.addf %get3A_159, %get3A_165 : vector<16xf32>
          %mul3A_167 = arith.constant 16 : i32
          %mul3A_168 = arith.muli %scan3A_152, %mul3A_167 : i32
          %swap3A = arith.index_cast %scan3A_23 : i32 to index
          %swap3A_169 = arith.index_cast %mul3A_168 : i32 to index
          %swap3A_170 = tpu.vector_load %arg7[%swap3A, %swap3A_169] {strides = array<i32>} : memref<32x1024xf32, #tpu.memory_space<vmem>>, vector<1x16xf32>,
          %swap3A_171 = vector.shape_cast %swap3A_170 : vector<1x16xf32> to vector<16xf32>
          %swap3A_172 = vector.shape_cast %add3A_166 : vector<16xf32> to vector<1x16xf32>
          tpu.vector_store %arg7[%swap3A, %swap3A_169], %swap3A_172 {strides = array<i32>} : memref<32x1024xf32, #tpu.memory_space<vmem>>, vector<1x16xf32>,
          %add3A_173 = arith.addf %scan3A_153, %add3A_166 : vector<16xf32>
          %mul3A_174 = arith.mulf %add3A_166, %add3A_166 : vector<16xf32>
          %add3A_175 = arith.addf %scan3A_154, %mul3A_174 : vector<16xf32>
          scf.yield %add3A_173, %add3A_175 : vector<16xf32>, vector<16xf32>
        }
        %scan3A_31 = arith.constant 64 : i32
        %iota3A = tpu.iota {dimensions = array<i32: 0>} : vector<16xi32>
        %xor3A = arith.constant 8 : i32
        %xor3A_32 = vector.broadcast %xor3A : i32 to vector<16xi32>
        %xor3A_33 = arith.xori %iota3A, %xor3A_32 : vector<16xi32>
        %reshape3A = vector.shape_cast %xor3A_33 : vector<16xi32> to vector<16x1xi32>
        %gather3A = vector.shape_cast %reshape3A : vector<16x1xi32> to vector<16xi32>
        %gather3A_34 = tpu.dynamic_gather %scan3A_30#0[%gather3A] in [0] : vector<16xf32>, vector<16xi32> -> vector<16xf32>
        %add3A_35 = arith.addf %scan3A_30#0, %gather3A_34 : vector<16xf32>
        %iota3A_36 = tpu.iota {dimensions = array<i32: 0>} : vector<16xi32>
        %xor3A_37 = arith.constant 4 : i32
        %xor3A_38 = vector.broadcast %xor3A_37 : i32 to vector<16xi32>
        %xor3A_39 = arith.xori %iota3A_36, %xor3A_38 : vector<16xi32>
        %reshape3A_40 = vector.shape_cast %xor3A_39 : vector<16xi32> to vector<16x1xi32>
        %gather3A_41 = vector.shape_cast %reshape3A_40 : vector<16x1xi32> to vector<16xi32>
        %gather3A_42 = tpu.dynamic_gather %add3A_35[%gather3A_41] in [0] : vector<16xf32>, vector<16xi32> -> vector<16xf32>
        %add3A_43 = arith.addf %add3A_35, %gather3A_42 : vector<16xf32>
        %iota3A_44 = tpu.iota {dimensions = array<i32: 0>} : vector<16xi32>
        %xor3A_45 = arith.constant 2 : i32
        %xor3A_46 = vector.broadcast %xor3A_45 : i32 to vector<16xi32>
        %xor3A_47 = arith.xori %iota3A_44, %xor3A_46 : vector<16xi32>
        %reshape3A_48 = vector.shape_cast %xor3A_47 : vector<16xi32> to vector<16x1xi32>
        %gather3A_49 = vector.shape_cast %reshape3A_48 : vector<16x1xi32> to vector<16xi32>
        %gather3A_50 = tpu.dynamic_gather %add3A_43[%gather3A_49] in [0] : vector<16xf32>, vector<16xi32> -> vector<16xf32>
        %add3A_51 = arith.addf %add3A_43, %gather3A_50 : vector<16xf32>
        %iota3A_52 = tpu.iota {dimensions = array<i32: 0>} : vector<16xi32>
        %xor3A_53 = arith.constant 1 : i32
        %xor3A_54 = vector.broadcast %xor3A_53 : i32 to vector<16xi32>
        %xor3A_55 = arith.xori %iota3A_52, %xor3A_54 : vector<16xi32>
        %reshape3A_56 = vector.shape_cast %xor3A_55 : vector<16xi32> to vector<16x1xi32>
        %gather3A_57 = vector.shape_cast %reshape3A_56 : vector<16x1xi32> to vector<16xi32>
        %gather3A_58 = tpu.dynamic_gather %add3A_51[%gather3A_57] in [0] : vector<16xf32>, vector<16xi32> -> vector<16xf32>
        %add3A_59 = arith.addf %add3A_51, %gather3A_58 : vector<16xf32>
        %mul3A_60 = arith.constant 9.765625E-4 : f32
        %mul3A_61 = vector.broadcast %mul3A_60 : f32 to vector<16xf32>
        %mul3A_62 = arith.mulf %add3A_59, %mul3A_61 : vector<16xf32>
        %iota3A_63 = tpu.iota {dimensions = array<i32: 0>} : vector<16xi32>
        %xor3A_64 = arith.constant 8 : i32
        %xor3A_65 = vector.broadcast %xor3A_64 : i32 to vector<16xi32>
        %xor3A_66 = arith.xori %iota3A_63, %xor3A_65 : vector<16xi32>
        %reshape3A_67 = vector.shape_cast %xor3A_66 : vector<16xi32> to vector<16x1xi32>
        %gather3A_68 = vector.shape_cast %reshape3A_67 : vector<16x1xi32> to vector<16xi32>
        %gather3A_69 = tpu.dynamic_gather %scan3A_30#1[%gather3A_68] in [0] : vector<16xf32>, vector<16xi32> -> vector<16xf32>
        %add3A_70 = arith.addf %scan3A_30#1, %gather3A_69 : vector<16xf32>
        %iota3A_71 = tpu.iota {dimensions = array<i32: 0>} : vector<16xi32>
        %xor3A_72 = arith.constant 4 : i32
        %xor3A_73 = vector.broadcast %xor3A_72 : i32 to vector<16xi32>
        %xor3A_74 = arith.xori %iota3A_71, %xor3A_73 : vector<16xi32>
        %reshape3A_75 = vector.shape_cast %xor3A_74 : vector<16xi32> to vector<16x1xi32>
        %gather3A_76 = vector.shape_cast %reshape3A_75 : vector<16x1xi32> to vector<16xi32>
        %gather3A_77 = tpu.dynamic_gather %add3A_70[%gather3A_76] in [0] : vector<16xf32>, vector<16xi32> -> vector<16xf32>
        %add3A_78 = arith.addf %add3A_70, %gather3A_77 : vector<16xf32>
        %iota3A_79 = tpu.iota {dimensions = array<i32: 0>} : vector<16xi32>
        %xor3A_80 = arith.constant 2 : i32
        %xor3A_81 = vector.broadcast %xor3A_80 : i32 to vector<16xi32>
        %xor3A_82 = arith.xori %iota3A_79, %xor3A_81 : vector<16xi32>
        %reshape3A_83 = vector.shape_cast %xor3A_82 : vector<16xi32> to vector<16x1xi32>
        %gather3A_84 = vector.shape_cast %reshape3A_83 : vector<16x1xi32> to vector<16xi32>
        %gather3A_85 = tpu.dynamic_gather %add3A_78[%gather3A_84] in [0] : vector<16xf32>, vector<16xi32> -> vector<16xf32>
        %add3A_86 = arith.addf %add3A_78, %gather3A_85 : vector<16xf32>
        %iota3A_87 = tpu.iota {dimensions = array<i32: 0>} : vector<16xi32>
        %xor3A_88 = arith.constant 1 : i32
        %xor3A_89 = vector.broadcast %xor3A_88 : i32 to vector<16xi32>
        %xor3A_90 = arith.xori %iota3A_87, %xor3A_89 : vector<16xi32>
        %reshape3A_91 = vector.shape_cast %xor3A_90 : vector<16xi32> to vector<16x1xi32>
        %gather3A_92 = vector.shape_cast %reshape3A_91 : vector<16x1xi32> to vector<16xi32>
        %gather3A_93 = tpu.dynamic_gather %add3A_86[%gather3A_92] in [0] : vector<16xf32>, vector<16xi32> -> vector<16xf32>
        %add3A_94 = arith.addf %add3A_86, %gather3A_93 : vector<16xf32>
        %mul3A_95 = arith.constant 9.765625E-4 : f32
        %mul3A_96 = vector.broadcast %mul3A_95 : f32 to vector<16xf32>
        %mul3A_97 = arith.mulf %add3A_94, %mul3A_96 : vector<16xf32>
        %mul3A_98 = arith.mulf %mul3A_62, %mul3A_62 : vector<16xf32>
        %sub3A = arith.subf %mul3A_97, %mul3A_98 : vector<16xf32>
        %add3A_99 = arith.constant 9.99999997E-7 : f32
        %add3A_100 = vector.broadcast %add3A_99 : f32 to vector<16xf32>
        %add3A_101 = arith.addf %sub3A, %add3A_100 : vector<16xf32>
        %bitcast_convert_type3A = tpu.bitcast %add3A_101 : vector<16xf32> -> vector<16xi32>
        %shift_right_arithmetic3A = arith.constant 1 : i32
        %shift_right_arithmetic3A_102 = vector.broadcast %shift_right_arithmetic3A : i32 to vector<16xi32>
        %shift_right_arithmetic3A_103 = arith.shrsi %bitcast_convert_type3A, %shift_right_arithmetic3A_102 : vector<16xi32>
        %sub3A_104 = arith.constant 1597463007 : i32
        %sub3A_105 = vector.broadcast %sub3A_104 : i32 to vector<16xi32>
        %sub3A_106 = arith.subi %sub3A_105, %shift_right_arithmetic3A_103 : vector<16xi32>
        %bitcast_convert_type3A_107 = tpu.bitcast %sub3A_106 : vector<16xi32> -> vector<16xf32>
        %mul3A_108 = arith.constant 5.000000e-01 : f32
        %mul3A_109 = vector.broadcast %mul3A_108 : f32 to vector<16xf32>
        %mul3A_110 = arith.mulf %mul3A_109, %add3A_101 : vector<16xf32>
        %mul3A_111 = arith.mulf %mul3A_110, %bitcast_convert_type3A_107 : vector<16xf32>
        %mul3A_112 = arith.mulf %mul3A_111, %bitcast_convert_type3A_107 : vector<16xf32>
        %sub3A_113 = arith.constant 1.500000e+00 : f32
        %sub3A_114 = vector.broadcast %sub3A_113 : f32 to vector<16xf32>
        %sub3A_115 = arith.subf %sub3A_114, %mul3A_112 : vector<16xf32>
        %mul3A_116 = arith.mulf %bitcast_convert_type3A_107, %sub3A_115 : vector<16xf32>
        %mul3A_117 = arith.constant 5.000000e-01 : f32
        %mul3A_118 = vector.broadcast %mul3A_117 : f32 to vector<16xf32>
        %mul3A_119 = arith.mulf %mul3A_118, %add3A_101 : vector<16xf32>
        %mul3A_120 = arith.mulf %mul3A_119, %mul3A_116 : vector<16xf32>
        %mul3A_121 = arith.mulf %mul3A_120, %mul3A_116 : vector<16xf32>
        %sub3A_122 = arith.constant 1.500000e+00 : f32
        %sub3A_123 = vector.broadcast %sub3A_122 : f32 to vector<16xf32>
        %sub3A_124 = arith.subf %sub3A_123, %mul3A_121 : vector<16xf32>
        %mul3A_125 = arith.mulf %mul3A_116, %sub3A_124 : vector<16xf32>
        %mul3A_126 = arith.constant 5.000000e-01 : f32
        %mul3A_127 = vector.broadcast %mul3A_126 : f32 to vector<16xf32>
        %mul3A_128 = arith.mulf %mul3A_127, %add3A_101 : vector<16xf32>
        %mul3A_129 = arith.mulf %mul3A_128, %mul3A_125 : vector<16xf32>
        %mul3A_130 = arith.mulf %mul3A_129, %mul3A_125 : vector<16xf32>
        %sub3A_131 = arith.constant 1.500000e+00 : f32
        %sub3A_132 = vector.broadcast %sub3A_131 : f32 to vector<16xf32>
        %sub3A_133 = arith.subf %sub3A_132, %mul3A_130 : vector<16xf32>
        %mul3A_134 = arith.mulf %mul3A_125, %sub3A_133 : vector<16xf32>
        %mul3A_135 = arith.constant 5.000000e-01 : f32
        %mul3A_136 = vector.broadcast %mul3A_135 : f32 to vector<16xf32>
        %mul3A_137 = arith.mulf %mul3A_136, %add3A_101 : vector<16xf32>
        %mul3A_138 = arith.mulf %mul3A_137, %mul3A_134 : vector<16xf32>
        %mul3A_139 = arith.mulf %mul3A_138, %mul3A_134 : vector<16xf32>
        %sub3A_140 = arith.constant 1.500000e+00 : f32
        %sub3A_141 = vector.broadcast %sub3A_140 : f32 to vector<16xf32>
        %sub3A_142 = arith.subf %sub3A_141, %mul3A_139 : vector<16xf32>
        %mul3A_143 = arith.mulf %mul3A_134, %sub3A_142 : vector<16xf32>
        %scan3A_144 = arith.constant 0 : i32
        %scan3A_145 = arith.constant 0 : i32
        %scan3A_146 = arith.constant 64 : i32
        %scan3A_147 = arith.addi %scan3A_145, %scan3A_146 : i32
        %scan3A_148 = arith.constant 1 : i32
        %scan3A_149 = scf.for %scan3A_152 = %scan3A_145 to %scan3A_147 step %scan3A_148 iter_args(%scan3A_153 = %scan3A_144) -> (i32)  : i32 {
          %mul3A_154 = arith.constant 16 : i32
          %mul3A_155 = arith.muli %scan3A_152, %mul3A_154 : i32
          %get3A = arith.index_cast %mul3A_155 : i32 to index
          %get3A_156 = tpu.vector_load %arg9[%get3A] {strides = array<i32>} : memref<1024xf32, #tpu.memory_space<vmem>>, vector<16xf32>,
          %get3A_157 = vector.shape_cast %get3A_156 : vector<16xf32> to vector<16xf32>
          %mul3A_158 = arith.constant 16 : i32
          %mul3A_159 = arith.muli %scan3A_152, %mul3A_158 : i32
          %get3A_160 = arith.index_cast %mul3A_159 : i32 to index
          %get3A_161 = tpu.vector_load %arg10[%get3A_160] {strides = array<i32>} : memref<1024xf32, #tpu.memory_space<vmem>>, vector<16xf32>,
          %get3A_162 = vector.shape_cast %get3A_161 : vector<16xf32> to vector<16xf32>
          %mul3A_163 = arith.constant 16 : i32
          %mul3A_164 = arith.muli %scan3A_152, %mul3A_163 : i32
          %get3A_165 = arith.index_cast %scan3A_23 : i32 to index
          %get3A_166 = arith.index_cast %mul3A_164 : i32 to index
          %get3A_167 = tpu.vector_load %arg7[%get3A_165, %get3A_166] {strides = array<i32>} : memref<32x1024xf32, #tpu.memory_space<vmem>>, vector<1x16xf32>,
          %get3A_168 = vector.shape_cast %get3A_167 : vector<1x16xf32> to vector<16xf32>
          %mul3A_169 = arith.mulf %mul3A_143, %get3A_157 : vector<16xf32>
          %mul3A_170 = arith.mulf %get3A_168, %mul3A_169 : vector<16xf32>
          %mul3A_171 = arith.mulf %mul3A_62, %mul3A_169 : vector<16xf32>
          %sub3A_172 = arith.subf %get3A_162, %mul3A_171 : vector<16xf32>
          %add3A_173 = arith.addf %mul3A_170, %sub3A_172 : vector<16xf32>
          %mul3A_174 = arith.constant 16 : i32
          %mul3A_175 = arith.muli %scan3A_152, %mul3A_174 : i32
          %swap3A = arith.index_cast %scan3A_23 : i32 to index
          %swap3A_176 = arith.index_cast %mul3A_175 : i32 to index
          %swap3A_177 = tpu.vector_load %arg7[%swap3A, %swap3A_176] {strides = array<i32>} : memref<32x1024xf32, #tpu.memory_space<vmem>>, vector<1x16xf32>,
          %swap3A_178 = vector.shape_cast %swap3A_177 : vector<1x16xf32> to vector<16xf32>
          %swap3A_179 = vector.shape_cast %add3A_173 : vector<16xf32> to vector<1x16xf32>
          tpu.vector_store %arg7[%swap3A, %swap3A_176], %swap3A_179 {strides = array<i32>} : memref<32x1024xf32, #tpu.memory_space<vmem>>, vector<1x16xf32>,
          %scan3A_180 = arith.constant 0 : i32
          scf.yield %scan3A_180 : i32
        }
        %scan3A_150 = arith.constant 64 : i32
        %scan3A_151 = arith.constant 0 : i32
        scf.yield %scan3A_151 : i32
      }
      %scan3A_21 = arith.constant 32 : i32
      "tpu.region"() ({
        %run_scoped3A = tpu.sem_alloc : memref<!tpu.dma_semaphore, #tpu.memory_space<semaphore_mem>>
        %dma_start3A = arith.constant 0 : i32
        %dma_start3A_23 = tpu.memref_slice %arg6[%add3A_13, %dma_start3A] : memref<8192x1024xf32, #tpu.memory_space<hbm>> -> memref<32x1024xf32, #tpu.memory_space<hbm>>
        %dma_start3A_24 = arith.constant 0 : i32
        %dma_start3A_25 = tpu.memref_slice %arg6[%add3A_13, %dma_start3A_24] : memref<8192x1024xf32, #tpu.memory_space<hbm>> -> memref<32x1024xf32, #tpu.memory_space<hbm>>
        tpu.enqueue_dma source(%arg7 : memref<32x1024xf32, #tpu.memory_space<vmem>>) target(%dma_start3A_25 : memref<32x1024xf32, #tpu.memory_space<hbm>>) target_semaphore(%run_scoped3A : memref<!tpu.dma_semaphore, #tpu.memory_space<semaphore_mem>>)
        %dma_wait3A = arith.constant 0 : i32
        %dma_wait3A_26 = tpu.memref_slice %arg6[%add3A_13, %dma_wait3A] : memref<8192x1024xf32, #tpu.memory_space<hbm>> -> memref<32x1024xf32, #tpu.memory_space<hbm>>
        %dma_wait3A_27 = arith.constant 0 : i32
        %dma_wait3A_28 = tpu.memref_slice %arg6[%add3A_13, %dma_wait3A_27] : memref<8192x1024xf32, #tpu.memory_space<hbm>> -> memref<32x1024xf32, #tpu.memory_space<hbm>>
        tpu.wait_dma2 semaphore(%run_scoped3A : memref<!tpu.dma_semaphore, #tpu.memory_space<semaphore_mem>>) src(%arg7 : memref<32x1024xf32, #tpu.memory_space<vmem>>) dst(%dma_wait3A_28 : memref<32x1024xf32, #tpu.memory_space<hbm>>)
        tpu.yield
      }) : () -> ()
      %scan3A_22 = arith.constant 0 : i32
      scf.yield %scan3A_22 : i32
    }
    %scan3A_8 = arith.constant 8 : i32
    return
  }
}

</mosaic_0001>

<sc_bundles>
// kernel: kernel.3.cloned.1.call-start
scs
__scs_entry_jumppad:
0x0: {  	(pc) =	sbr.rel $0x88, $3  }
0x1: {  	(tag) =	ssettag $0x0;
	lr =	simm.s32 $0x1  }
0x2: {  	[smem:$0x3F9D] =	sst lr;
	_ =	strace $0xD0000000  }
0x3: {  	_ = 	snop  }
0x4: {  	_ = 	snop  }
0x5: {  	_ = 	snop  }
0x6: {  	_ = 	snop  }
0x7: {  	_ = 	snop  }
__scs_overlays_trampoline_lowered:
0x8: {  	[smem:$0x3FAC] =	sst s0  }
0x9: {  	[smem:$0x3FAD] =	sst s1  }
0xa: {  	[smem:$0x3FAE] =	sst s2  }
0xb: {  	[smem:$0x3FAF] =	sst s3  }
0xc: {  	[smem:$0x3FB0] =	sst s4  }
0xd: {  	[smem:$0x3FB1] =	sst s5  }
0xe: {  	[smem:$0x3FB2] =	sst s6  }
0xf: {  	[smem:$0x3FB3] =	sst s7  }
0x10: {  	[smem:$0x3FB4] =	sst s8  }
0x11: {  	[smem:$0x3FB5] =	sst s9;
	s0 =	simm.s32 @!p0 $0x0  }
0x12: {  	s1 =	sld [smem:$0x3F9B];
	s0 =	simm.s32 @p0 $0x1  }
0x13: {  	[smem:$0x3FB6] =	sst s0;
	s0 =	simm.s32 @!p1 $0x0  }
0x14: {  	s2 =	sld [smem:$0x3F9A];
	s0 =	simm.s32 @p1 $0x1  }
0x15: {  	[smem:$0x3FB7] =	sst s0;
	s0 =	simm.s32 @!p2 $0x0  }
0x16: {  	s3 =	sld [smem:$0x3FDB];
	s0 =	simm.s32 @p2 $0x1  }
0x17: {  	s4 =	simm.s32 $0x1BF5;
	[smem:$0x3FB9] =	sst s0  }
0x18: {  	s0 =	sld [smem:$0x3F9C];
	_ =	swait.ge [sflag:s4], $0x0  }
0x19: {  	s7 =	sld [smem:$0x3F9D]  }
0x1a: {  	s8 =	sadd.s32 $0xFFFFE003, lr  }
0x1b: {  	s9 =	sadd.s32 $0xFFFFFEF7, lr;
	s5 =	simm.s32 $0xFFFFFFFF;
	p2 =	slt.u32 s8, $0xFFFFF086  }
0x1c: {  	p1 =	slt.u32 s9, $0xF7A;
	s5 =	simm.s32 @!p2 $0x0  }
0x1d: {  	s5 =	simm.s32 @p1 $0x1;
	p0 =	seq.s32 s7, s2  }
0x1e: {  	s7 =	smul.u32 @!p0 $0xF7A, s2;
	p2 =	seq.s32 @!p0 s5, $0x0  }
0x1f: {  	s9 =	smul.u32 $0xF7A, s1;
	s8 =	simm.s32 @!p0 $0x1BF5;
	p2 =	por !p2, p0  }
0x20: {  	[sflag:s8] =	ssyncset.s32 @!p0 $0xFFFFF086;
	s6 =	sadd.s32 @!p0 s3, s7;
	s7 =	simm.s32 @!p0 $0x108  }
0x21: {  	s3 =	sadd.s32 s3, s9;
	s6 =	sadd.s32 @!p0 $0x88, s6;
	s7 =	simm.s32 @p2 $0x1082  }
0x22: {  	[simem:s7], [sflag:s8] =	dma.local @!p0 [hbm:s6], $0xF7A  }
0x23: {  	s9 =	sor.u32 $0xD0000000, s2;
	s6 =	simm.s32 $0x108;
	_ =	swait.ge @!p0 [sflag:s8], $0x0  }
0x24: {  	s3 =	sadd.s32 $0x88, s3;
	s6 =	simm.s32 @!p1 $0x1082;
	[sflag:s4] =	ssyncset.s32 $0xFFFFF086  }
0x25: {  	[simem:s6], [sflag:s4] =	dma.local [hbm:s3], $0xF7A  }
0x26: {  	[smem:$0x3F9D] =	sst s1;
	(tag) =	ssettag s2;
	_ =	strace s9  }
0x27: {  	s1 =	sld [smem:$0x3FAD]  }
0x28: {  	s2 =	sld [smem:$0x3FAE]  }
0x29: {  	s4 =	sld [smem:$0x3FB0]  }
0x2a: {  	p0 =	seq.s32 s5, $0x0;
	s5 =	sld [smem:$0x3FB1]  }
0x2b: {  	s6 =	sld [smem:$0x3FB2]  }
0x2c: {  	s7 =	sld [smem:$0x3FB3]  }
0x2d: {  	s3 =	simm.s32 $0x108;
	s8 =	sld [smem:$0x3FB4]  }
0x2e: {  	s3 =	simm.s32 @!p0 $0x1082;
	s9 =	sld [smem:$0x3FB5]  }
0x2f: {  	lr =	sadd.s32 s0, s3;
	s0 =	sld [smem:$0x3FAC]  }
0x30: {  	s3 =	sld [smem:$0x3FAF]  }
0x31: {  	[smem:$0x3FB8] =	sst s10  }
0x32: {  	s10 =	sld [smem:$0x3FB6];
	_ =	sdelay $0x3  }
0x33: {  	p0 =	seq.s32 s10, $0x1;
	s10 =	sld [smem:$0x3FB8];
	_ =	sdelay $0x3  }
0x34: {  	[smem:$0x3FB8] =	sst s10  }
0x35: {  	s10 =	sld [smem:$0x3FB7];
	_ =	sdelay $0x3  }
0x36: {  	p1 =	seq.s32 s10, $0x1;
	s10 =	sld [smem:$0x3FB8];
	_ =	sdelay $0x3  }
0x37: {  	[smem:$0x3FB8] =	sst s10  }
0x38: {  	s10 =	sld [smem:$0x3FB9]  }
0x39: {  	_ = 	snop;
	(pc) =	sbr.ind lr, $3  }
0x3a: {  	_ = 	snop  }
0x3b: {  	_ = 	snop  }
0x3c: {  	p2 =	seq.s32 s10, $0x1;
	s10 =	sld [smem:$0x3FB8]  }
0x3d: {  	_ =	shalt  }
0x3e: {  	_ =	shalt  }
0x3f: {  	_ =	shalt  }
0x40: {  	_ =	shalt  }
0x41: {  	_ =	shalt  }
0x42: {  	_ =	shalt  }
0x43: {  	_ =	shalt  }
0x44: {  	_ =	shalt  }
0x45: {  	_ =	shalt  }
0x46: {  	_ =	shalt  }
0x47: {  	_ =	shalt  }
0x48: {  	_ =	shalt  }
0x49: {  	_ =	shalt  }
0x4a: {  	_ =	shalt  }
0x4b: {  	_ =	shalt  }
0x4c: {  	_ =	shalt  }
0x4d: {  	_ =	shalt  }
0x4e: {  	_ =	shalt  }
0x4f: {  	_ =	shalt  }
0x50: {  	_ =	shalt  }
0x51: {  	_ =	shalt  }
0x52: {  	_ =	shalt  }
0x53: {  	_ =	shalt  }
0x54: {  	_ =	shalt  }
0x55: {  	_ =	shalt  }
0x56: {  	_ =	shalt  }
0x57: {  	_ =	shalt  }
0x58: {  	_ =	shalt  }
0x59: {  	_ =	shalt  }
0x5a: {  	_ =	shalt  }
0x5b: {  	_ =	shalt  }
0x5c: {  	_ =	shalt  }
0x5d: {  	_ =	shalt  }
0x5e: {  	_ =	shalt  }
0x5f: {  	_ =	shalt  }
0x60: {  	_ =	shalt  }
0x61: {  	_ =	shalt  }
0x62: {  	_ =	shalt  }
0x63: {  	_ =	shalt  }
0x64: {  	_ =	shalt  }
0x65: {  	_ =	shalt  }
0x66: {  	_ =	shalt  }
0x67: {  	_ =	shalt  }
0x68: {  	_ =	shalt  }
0x69: {  	_ =	shalt  }
0x6a: {  	_ =	shalt  }
0x6b: {  	_ =	shalt  }
0x6c: {  	_ =	shalt  }
0x6d: {  	_ =	shalt  }
0x6e: {  	_ =	shalt  }
0x6f: {  	_ =	shalt  }
0x70: {  	_ =	shalt  }
0x71: {  	_ =	shalt  }
0x72: {  	_ =	shalt  }
0x73: {  	_ =	shalt  }
0x74: {  	_ =	shalt  }
0x75: {  	_ =	shalt  }
0x76: {  	_ =	shalt  }
0x77: {  	_ =	shalt  }
0x78: {  	_ =	shalt  }
0x79: {  	_ =	shalt  }
0x7a: {  	_ =	shalt  }
0x7b: {  	_ =	shalt  }
0x7c: {  	_ =	shalt  }
0x7d: {  	_ =	shalt  }
0x7e: {  	_ =	shalt  }
0x7f: {  	_ =	shalt  }
0x80: {  	_ =	shalt  }
0x81: {  	_ =	shalt  }
0x82: {  	_ =	shalt  }
0x83: {  	_ =	shalt  }
0x84: {  	_ =	shalt  }
0x85: {  	_ =	shalt  }
0x86: {  	_ =	shalt  }
0x87: {  	_ =	shalt  }
.Lfunc_end0:
.L_simem_size_0:
called_computation_lowered:
.L_overlay_start_0:
0x88: {  	s2 =	sld [smem:$0x3FD9]  }
0x89: {  	s3 =	sld [smem:$0x3FFE];
	_ =	sdelay $0x1  }
0x8a: {  	s1 =	srdreg.scid  }
0x8b: {  	s0 =	sand.u32 $0x1, s1  }
0x8c: {  	s18 =	sshll.u32 s0, $0xA;
	s2 =	sadd.s32 s3, s2  }
0x8d: {  	s2 =	sadd.s32 s2, s18  }
0x8e: {  	[smem:$0x3FC4] =	sst s2  }
0x8f: {  	_ = 	snop  }
0x90: {  	s2 =	sld [smem:$0x3FC9]  }
0x91: {  	s19 =	sld [smem:$0x3FC8]  }
0x92: {  	s4 =	sld [smem:$0x3FC7]  }
0x93: {  	s5 =	sld [smem:$0x3FC6]  }
0x94: {  	s6 =	sld [smem:$0x3FD0];
	(tm) =	ssettm $0x1  }
0x95: {  	s7 =	sld [smem:$0x3FFB];
	_ =	sdelay $0x3  }
0x96: {  	_ =	strace s7  }
0x97: {  	s7 =	sld [smem:$0x3FFC];
	_ =	sdelay $0x3  }
0x98: {  	_ =	strace s7  }
0x99: {  	s7 =	sld [smem:$0x3FFD];
	_ =	sdelay $0x3  }
0x9a: {  	_ =	strace s7  }
0x9b: {  	_ =	strace $0x8FFFFFFF  }
0x9c: {  	s20 =	sld [smem:$0x3FDB];
	_ =	sdelay $0x1  }
0x9d: {  	s8 =	simm.s32 $_scs_section_size  }
0x9e: {  	s9 =	simm.s32 $_size__tile_overlayer_lowered;
	s10 =	simm.s32 $_tile_overlayer_lowered  }
0x9f: {  	s23 =	simm.s32 $0x1BFF;
	s22 =	sshll.u32 s10, $0x1;
	s7 =	sadd.s32 s8, s20  }
0xa0: {  	s11 =	simm.s32 $0x0;
	s21 =	sshll.u32 s9, $0x1;
	s9 =	sadd.s32 s22, s7  }
0xa1: {  	[timem:s11], [sflag:s23] =	dma.local [hbm:s9], s21  }
0xa2: {  	_ =	swait.ge [sflag:s23], s21  }
0xa3: {  	s8 =	ssub.s32 $0x0, s21;
	[sflag:s23] =	ssyncset.done $0x0  }
0xa4: {  	[sflag:s23] =	ssyncadd.s32 s8;
	_ =	sdelay $0x1  }
0xa5: {  	s24 =	simm.s32 $0x1B8B  }
0xa6: {  	_ =	swait.ge [sflag:s24], $0x1  }
0xa7: {  	[sflag:s24] =	ssyncset.done $0x0  }
0xa8: {  	s25 =	simm.s32 $0x1B8E;
	[sflag:s24] =	ssyncadd.s32 $0xFFFFFFFF  }
0xa9: {  	s26 =	simm.s32 $execute0_lowered;
	[smem:$0x3FD2] =	sst s25  }
0xaa: {  	s8 =	sshll.u32 s26, $0x1;
	_ =	strace $0x80000046;
	[dreg:$0x1] =	wrdreg $0xFFFFFFFF  }
0xab: {  	s28 =	simm.s32 $_size_execute0_lowered;
	s7 =	sadd.s32 s7, s8;
	[dreg:$0x0] =	wrdreg $0x0  }
0xac: {  	s8 =	sshll.u32 s28, $0x1;
	[dreg:$0x2] =	wrdreg s7  }
0xad: {  	[dreg:$0x3] =	wrdreg s8  }
0xae: {  	[dreg:$0x4] =	wrdreg $0xC0  }
0xaf: {  	_ =	task [dreg:s11], $0x5FFFF  }
0xb0: {  	[dreg:$0x1] =	wrdreg $0xFFFFFFFF  }
0xb1: {  	[dreg:$0x0] =	wrdreg $0x60  }
0xb2: {  	[dreg:$0x2] =	wrdreg s2  }
0xb3: {  	[dreg:$0x3] =	wrdreg s19  }
0xb4: {  	[dreg:$0x4] =	wrdreg s4  }
0xb5: {  	[dreg:$0x5] =	wrdreg s5  }
0xb6: {  	[dreg:$0x6] =	wrdreg s6  }
0xb7: {  	[dreg:$0x7] =	wrdreg $0x9  }
0xb8: {  	_ =	task.clear_ibuf [dreg:s11], $0x8FFFF;
	_ =	strace $0x90000046  }
0xb9: {  	s29 =	simm.s32 $0x9;
	_ =	strace $0x80000048  }
0xba: {  	_ =	swait.ge [sflag:s29], $0x1  }
0xbb: {  	[sflag:s29] =	ssyncadd.s32 $0xFFFFFFFF  }
0xbc: {  	_ =	strace $0x90000048  }
0xbd: {  	_ =	sfence  }
0xbe: {  	s30 =	sld [smem:$0x0];
	_ =	sdelay $0x2  }
0xbf: {  	s31 =	sshll.u32 s1, $0xD;
	s1 =	sshrl.u32 s1, $0x2  }
0xc0: {  	s3 =	sand.u32 $0x4000, s31;
	s1 =	sadd.s32 s1, s30  }
0xc1: {  	s0 =	sor.u32 s3, s0;
	s1 =	sshll.u32 s1, $0x11  }
0xc2: {  	s0 =	sor.u32 s1, s0  }
0xc3: {  	s0 =	sadd.s32 $0x8F2B, s0  }
0xc4: {  	[sflag:s0] =	ssyncadd.remote.s32 $0x1  }
0xc5: {  	_ =	sfence.sel $0xFFFF  }
0xc6: {  	[dreg:$0x0] =	wrdreg $0xFFFFFFFF;
	(pc) =	sbr.abs _section_cstart, $3  }
0xc7: {  	[dreg:$0x1] =	wrdreg $0xFFFFFFFF  }
0xc8: {  	_ =	task.clear_ibuf [dreg:s11], $0x2FFFF;
	_ =	strace $0x9FFFFFFF  }
0xc9: {  	(tm) =	ssettm $0x7FFFFFFF  }
tec
execute0_lowered:
.L_overlay_start_1:
0x0: {  	(tag) =	ssettag $0x1  }
0x1: {  	v0 =	vimm.s32 $0xFEDCBA98;
	v1 =	vimm.s32 $0x76543210;
	s0 =	rddreg [dreg:$0x0]  }
0x2: {  	s1 =	rddreg [dreg:$0x1];
	v2 =	vimm.s32 $0xBA98FEDC;
	v3 =	vimm.s32 $0x32107654;
	v4 =	vimm.s32 $0xDCFE98BA  }
0x3: {  	s2 =	rddreg [dreg:$0x2];
	v5 =	vimm.s32 $0x54761032;
	v6 =	vimm.s32 $0xEFCDAB89;
	v7 =	vimm.s32 $0x67452301  }
0x4: {  	s3 =	rddreg [dreg:$0x3];
	v0 =	vunpack.c.l.s4.s8 v0;
	v1 =	vunpack.c.l.s4.s8 v1;
	v2 =	vunpack.c.l.s4.s8 v2  }
0x5: {  	s5 =	rddreg [dreg:$0x4];
	v3 =	vunpack.c.l.s4.s8 v3;
	v4 =	vunpack.c.l.s4.s8 v4;
	v5 =	vunpack.c.l.s4.s8 v5  }
0x6: {  	s7 =	srdreg.scid;
	s4 =	rddreg [dreg:$0x5];
	v6 =	vunpack.c.l.s4.s8 v6;
	v7 =	vunpack.c.l.s4.s8 v7;
	v0 =	vunpack.c.0.s8.s32 v0  }
0x7: {  	s6 =	simm.s32 $0x0;
	s12 =	simm.s32 $0x10400;
	s13 =	simm.s32 $0x8000;
	v2 =	vunpack.c.0.s8.s32 v2;
	v3 =	vunpack.c.0.s8.s32 v3;
	v4 =	vunpack.c.0.s8.s32 v4  }
0x8: {  	s14 =	simm.s32 $0x0;
	s17 =	simm.s32 $0x0;
	s8 =	sand.u32 $0x1, s7;
	v5 =	vunpack.c.0.s8.s32 v5;
	v6 =	vunpack.c.0.s8.s32 v6;
	v7 =	vunpack.c.0.s8.s32 v7  }
0x9: {  	[smem:$0x7FF] =	sst s6;
	s7 =	stileid.u32;
	s9 =	ssub.s32 $0x2, s8;
	v1 =	vunpack.c.0.s8.s32 v1;
	v2 =	vcombine.low v3, v2  }
0xa: {  	s11 =	sshll.u32 s7, $0x10;
	s8 =	sshll.u32 s8, $0xF;
	s10 =	sshrl.u32 s9, $0x1;
	v3 =	vcombine.low v5, v4;
	v4 =	vcombine.low v7, v6;
	v0 =	vand.u32 $0xF, v0  }
0xb: {  	_ =	strace $0x80000047;
	s8 =	sor.u32 s8, s11;
	s9 =	ssub.s32 s9, s10;
	v0 =	vcombine.low v0, v1  }
0xc: {  	s11 =	simm.s32 $0x1;
	s10 =	simm.s32 $0x10000;
	s9 =	smax.u32 s9, $0x1;
	v1 =	vand.u32 $0xF, v2;
	v2 =	vand.u32 $0xF, v3;
	v3 =	vand.u32 $0xF, v4  }
.LBB2_1:
0xd: {  	[tilespmem:s10], [sflag:$0x1] =	stream.linear.gather [hbm4b:s2+s6], $0x400, $0x38;
	[tilespmem:$0x10800] =	vst v63  }
0xe: {  	_ =	swait.ge [sflag:s11], $0x400  }
0xf: {  	[sflag:s11] =	ssyncset.done $0x0  }
0x10: {  	[sflag:s11] =	ssyncadd.s32 $0xFFFFFC00  }
0x11: {  	[tilespmem:s12], [sflag:$0x1] =	stream.linear.gather [hbm4b:s3+s6], $0x400, $0x38;
	[tilespmem:$0x10800] =	vst v63  }
0x12: {  	_ =	swait.ge [sflag:s11], $0x400  }
0x13: {  	[sflag:s11] =	ssyncset.done $0x0  }
0x14: {  	s15 =	simm.s32 $0x0;
	[sflag:s11] =	ssyncadd.s32 $0xFFFFFC00  }
.LBB2_2:
0x15: {  	s16 =	sshll.u32 s15, $0xC  }
0x16: {  	s16 =	sadd.s32 s8, s16  }
0x17: {  	s18 =	sadd.s32 s0, s16  }
0x18: {  	[tilespmem:s17], [sflag:$0x1] =	stream.linear.gather [hbm4b:s18+s17], $0x8000, $0x38;
	[tilespmem:$0x10800] =	vst v63  }
0x19: {  	_ =	swait.ge [sflag:s11], $0x8000  }
0x1a: {  	s31 =	sand.u32 $0x3F000, s16;
	[sflag:s11] =	ssyncset.done $0x0  }
0x1b: {  	s18 =	sadd.s32 s1, s31;
	[sflag:s11] =	ssyncadd.s32 $0xFFFF8000  }
0x1c: {  	[tilespmem:s13], [sflag:$0x1] =	stream.linear.gather [hbm4b:s18+s17], $0x8000, $0x38;
	[tilespmem:$0x10800] =	vst v63  }
0x1d: {  	_ =	swait.ge [sflag:s11], $0x8000  }
0x1e: {  	[sflag:s11] =	ssyncset.done $0x0  }
0x1f: {  	s18 =	simm.s32 $0x0;
	[sflag:s11] =	ssyncadd.s32 $0xFFFF8000  }
.LBB2_3:
0x20: {  	s19 =	sshll.u32 s18, $0xA;
	s20 =	sshll.u32 s18, $0x7;
	s22 =	sand.u32 $0x70, s17  }
0x21: {  	s23 =	sand.u32 $0x1C00, s17;
	s19 =	sand.u32 $0x6000, s19;
	s20 =	sand.u32 $0x380, s20  }
0x22: {  	s22 =	sor.u32 s22, s23;
	s21 =	sor.u32 s20, s19  }
0x23: {  	s22 =	sor.u32 s21, s22  }
0x24: {  	v6 =	vld [tilespmem:s22+$0x8000]  }
0x25: {  	v7 =	vld [tilespmem:s22+$0x0];
	_ =	sdelay $0x2  }
0x26: {  	v4 =	vimm.f32 $0.0e+00;
	s25 =	simm.s32 $0x10;
	s24 =	simm.s32 $0x20;
	v5 =	vimm.f32 $0.0e+00;
	s23 =	simm.s32 $0x80  }
.LBB2_4:
0x27: {  	p0 =	sne.s32 s24, $0x3F0;
	s25 =	sand.u32 $0x70, s25;
	s26 =	sand.u32 $0x1C00, s23  }
0x28: {  	s26 =	sor.u32 s25, s26;
	v7 =	vadd.f32 v6, v7;
	s25 =	smov.u32 s24  }
0x29: {  	s26 =	sor.u32 s21, s26  }
.Ltmp0:
0x2a: {  	v6 =	vld [tilespmem:s26+$0x8000];
	[tilespmem:s22+$0x0] =	vst v7;
	v4 =	vadd.f32 v7, v4;
	v8 =	vmul.f32 v7, v7;
	s22 =	smov.u32 s26;
	(pc) =	sbr.rel @p0 .LBB2_4-.Ltmp0, $3  }
0x2b: {  	v7 =	vld [tilespmem:s22+$0x0]  }
0x2c: {  	v5 =	vadd.f32 v8, v5;
	_ =	sdelay $0x1  }
0x2d: {  	s23 =	sadd.s32 $0x80, s23;
	s24 =	sadd.s32 $0x10, s24  }
0x2e: {  	s24 =	sand.u32 $0x70, s25;
	s23 =	sand.u32 $0x1C00, s23  }
0x2f: {  	s23 =	sor.u32 s24, s23;
	v6 =	vadd.f32 v6, v7  }
0x30: {  	s21 =	sor.u32 s21, s23  }
0x31: {  	v7 =	vld [tilespmem:s21+$0x8000];
	[tilespmem:s22+$0x0] =	vst v6  }
0x32: {  	v8 =	vld [tilespmem:s21+$0x0];
	_ =	sdelay $0x4  }
0x33: {  	v4 =	vadd.f32 v6, v4;
	v6 =	vmul.f32 v6, v6;
	v7 =	vadd.f32 v7, v8;
	_ =	sdelay $0x1  }
0x34: {  	v5 =	vadd.f32 v6, v5;
	v4 =	vadd.f32 v7, v4;
	v6 =	vmul.f32 v7, v7;
	_ =	sdelay $0x1  }
0x35: {  	v5 =	vadd.f32 v6, v5;
	v6 =	vperm.xlane v4, v0;
	_ =	sdelay $0x1  }
0x36: {  	v4 =	vadd.f32 v6, v4;
	v6 =	vperm.xlane v5, v0;
	_ =	sdelay $0x1  }
0x37: {  	v8 =	vperm.xlane v4, v1;
	v5 =	vadd.f32 v6, v5;
	_ =	sdelay $0x1  }
0x38: {  	v4 =	vadd.f32 v8, v4;
	v6 =	vperm.xlane v5, v1;
	_ =	sdelay $0x1  }
0x39: {  	v8 =	vperm.xlane v4, v2;
	v5 =	vadd.f32 v6, v5;
	_ =	sdelay $0x1  }
0x3a: {  	v4 =	vadd.f32 v8, v4;
	v6 =	vperm.xlane v5, v2;
	_ =	sdelay $0x1  }
0x3b: {  	v8 =	vperm.xlane v4, v3;
	v5 =	vadd.f32 v6, v5;
	_ =	sdelay $0x1  }
0x3c: {  	v4 =	vadd.f32 v8, v4;
	v6 =	vperm.xlane v5, v3;
	_ =	sdelay $0x1  }
0x3d: {  	v4 =	vmul.f32 $9.765625000e-04, v4;
	v5 =	vadd.f32 v6, v5;
	_ =	sdelay $0x1  }
0x3e: {  	v5 =	vmul.f32 $9.765625000e-04, v5;
	v6 =	vmul.f32 v4, v4;
	_ =	sdelay $0x1  }
0x3f: {  	v5 =	vsub.f32 v5, v6;
	_ =	sdelay $0x1  }
0x40: {  	v5 =	vadd.f32 $9.999999970e-07, v5;
	_ =	sdelay $0x1  }
0x41: {  	v6 =	vshra.s32 v5, $0x1;
	v5 =	vmul.f32 $5.000000000e-01, v5  }
0x42: {  	v6 =	vsub.s32 $0x5F3759DF, v6  }
0x43: {  	v8 =	vmul.f32 v6, v5;
	_ =	sdelay $0x1  }
0x44: {  	v8 =	vmul.f32 v6, v8;
	_ =	sdelay $0x1  }
0x45: {  	v8 =	vsub.f32 $1.500000000e+00, v8;
	_ =	sdelay $0x1  }
0x46: {  	v6 =	vmul.f32 v6, v8;
	_ =	sdelay $0x1  }
0x47: {  	v8 =	vmul.f32 v6, v5;
	_ =	sdelay $0x1  }
0x48: {  	v8 =	vmul.f32 v8, v6;
	_ =	sdelay $0x1  }
0x49: {  	v8 =	vsub.f32 $1.500000000e+00, v8;
	_ =	sdelay $0x1  }
0x4a: {  	v6 =	vmul.f32 v8, v6;
	_ =	sdelay $0x1  }
0x4b: {  	v8 =	vmul.f32 v6, v5;
	_ =	sdelay $0x1  }
0x4c: {  	v8 =	vmul.f32 v8, v6;
	_ =	sdelay $0x1  }
0x4d: {  	v8 =	vsub.f32 $1.500000000e+00, v8;
	_ =	sdelay $0x1  }
0x4e: {  	v6 =	vmul.f32 v8, v6;
	_ =	sdelay $0x1  }
0x4f: {  	v5 =	vmul.f32 v6, v5;
	_ =	sdelay $0x1  }
0x50: {  	s29 =	simm.s32 $0x0;
	s30 =	simm.s32 $0x10000;
	[tilespmem:s21+$0x0] =	vst v7;
	v5 =	vmul.f32 v5, v6  }
0x51: {  	s19 =	sadd.s32 s20, s19;
	s31 =	sand.u32 $0x1C00, s29;
	v7 =	vld [tilespmem:s30+$0x0]  }
0x52: {  	s20 =	sadd.s32 s31, s19;
	s21 =	sand.u32 $0x70, s29;
	v5 =	vsub.f32 $1.500000000e+00, v5  }
0x53: {  	s21 =	sadd.s32 s21, s20;
	s20 =	simm.s32 $0x10400  }
0x54: {  	v8 =	vld [tilespmem:s20+$0x0];
	v5 =	vmul.f32 v5, v6  }
0x55: {  	v6 =	vld [tilespmem:s21+$0x0]  }
0x56: {  	v7 =	vmul.f32 v7, v5;
	_ =	sdelay $0x1  }
0x57: {  	v9 =	vmul.f32 v7, v4;
	_ =	sdelay $0x1  }
0x58: {  	v6 =	vmul.f32 v6, v7;
	v7 =	vsub.f32 v8, v9;
	_ =	sdelay $0x1  }
0x59: {  	v6 =	vadd.f32 v7, v6;
	_ =	sdelay $0x1  }
0x5a: {  	s22 =	simm.s32 $0x10010;
	[tilespmem:s21+$0x0] =	vst v6;
	s21 =	simm.s32 $0x80  }
0x5b: {  	s24 =	simm.s32 $0x20;
	s23 =	simm.s32 $0x10;
	v6 =	vld [tilespmem:s22+$0x0];
	s25 =	sand.u32 $0x1C00, s21  }
.LBB2_6:
0x5c: {  	p0 =	sne.s32 s24, $0x3F0;
	s23 =	sand.u32 $0x70, s23;
	s25 =	sadd.s32 s25, s19  }
0x5d: {  	s25 =	sadd.s32 s23, s25;
	s23 =	smov.u32 s24  }
0x5e: {  	s20 =	sadd.s32 $0x10, s20;
	v7 =	vld [tilespmem:s25+$0x0]  }
0x5f: {  	v8 =	vld [tilespmem:s20+$0x0]  }
0x60: {  	v6 =	vmul.f32 v6, v5;
	_ =	sdelay $0x1  }
0x61: {  	v9 =	vmul.f32 v6, v4;
	_ =	sdelay $0x1  }
0x62: {  	v6 =	vmul.f32 v7, v6;
	v7 =	vsub.f32 v8, v9  }
.Ltmp1:
0x63: {  	(pc) =	sbr.rel @p0 .LBB2_6-.Ltmp1, $3  }
0x64: {  	v6 =	vadd.f32 v7, v6;
	_ =	sdelay $0x1  }
0x65: {  	s21 =	sadd.s32 $0x80, s21;
	s22 =	sadd.s32 $0x10, s22;
	[tilespmem:s25+$0x0] =	vst v6  }
0x66: {  	s24 =	sadd.s32 $0x10, s24;
	s25 =	sand.u32 $0x1C00, s21;
	v6 =	vld [tilespmem:s22+$0x0]  }
0x67: {  	_ = 	snop  }
0x68: {  	s21 =	sand.u32 $0x70, s23;
	s19 =	sadd.s32 s25, s19;
	s20 =	sadd.s32 $0x10, s20  }
0x69: {  	s19 =	sadd.s32 s21, s19;
	v8 =	vld [tilespmem:s20+$0x0]  }
0x6a: {  	v7 =	vld [tilespmem:s19+$0x0]  }
0x6b: {  	v5 =	vmul.f32 v6, v5;
	_ =	sdelay $0x1  }
0x6c: {  	s18 =	sadd.s32 $0x1, s18;
	v4 =	vmul.f32 v5, v4  }
0x6d: {  	p0 =	sne.s32 s18, $0x20  }
.Ltmp2:
0x6e: {  	v5 =	vmul.f32 v7, v5;
	v4 =	vsub.f32 v8, v4;
	(pc) =	sbr.rel @p0 .LBB2_3-.Ltmp2, $3  }
0x6f: {  	_ = 	snop  }
0x70: {  	v4 =	vadd.f32 v4, v5;
	_ =	sdelay $0x1  }
0x71: {  	[tilespmem:s19+$0x0] =	vst v4  }
0x72: {  	s15 =	sadd.s32 $0x1, s15  }
0x73: {  	p0 =	sne.s32 s15, $0x8  }
.Ltmp3:
0x74: {  	s16 =	sadd.s32 s5, s16;
	(pc) =	sbr.rel @p0 .LBB2_2-.Ltmp3, $4  }
0x75: {  	[hbm4b:s16+s6] =	stream.linear.scatter [tilespmem:s6], [sflag:$0x1], $0x8000, $0x38;
	[tilespmem:$0x10800] =	vst v63  }
0x76: {  	_ =	swait.ge [sflag:s11], $0x8000  }
0x77: {  	[sflag:s11] =	ssyncset.done $0x0  }
0x78: {  	[sflag:s11] =	ssyncadd.s32 $0xFFFF8000  }
0x79: {  	s14 =	sadd.s32 $0x1, s14  }
0x7a: {  	p0 =	sne.s32 s14, s9  }
.Ltmp4:
0x7b: {  	_ = 	snop;
	(pc) =	sbr.rel @p0 .LBB2_1-.Ltmp4, $1  }
0x7c: {  	_ =	sdelay $0x3  }
0x7d: {  	_ =	sfence.sel $0x180000  }
0x7e: {  	[bflag:$0x0] =	sbarrier.arrive $0xFFFF  }
0x7f: {  	p0 =	sne.s32 s7, $0x0;
	_ =	strace $0x90000047  }
0x80: {  	s0 =	sadd.s32 @!p0 $0x100000, s4;
	[bflag:$0x2] =	sbarrier.arrive $0xFFFF  }
0x81: {  	[sflag:s0] =	ssyncadd.tile.s32 @!p0 $0x1;
	_ =	shalt  }
.Lfunc_end2:
_tile_overlayer_lowered:
.L_overlay_start_2:
0x82: {  	(tag) =	ssettag $0x2  }
0x83: {  	s0 =	rddreg [dreg:$0x0];
	s2 =	stileid.u32  }
0x84: {  	s1 =	rddreg [dreg:$0x1];
	p0 =	sne.s32 s2, $0x0  }
0x85: {  	s3 =	rddreg [dreg:$0x2];
	[bflag:$0x3] =	sbarrier.arrive $0xFFFF;
	s2 =	simm.s32 @!p0 $0x1C01  }
0x86: {  	[timem:s3], [sflag:s2] =	dma.local @!p0 [hbm:s0], s1  }
0x87: {  	s0 =	simm.s32 @!p0 $0x1  }
0x88: {  	_ =	swait.ge @!p0 [sflag:s0], s1  }
0x89: {  	s1 =	ssub.s32 @!p0 $0x0, s1;
	[sflag:s0] =	ssyncset.done @!p0 $0x0  }
0x8a: {  	[sflag:s0] =	ssyncadd.s32 @!p0 s1  }
0x8b: {  	[bflag:$0x3] =	sbarrier.arrive $0xFFFF  }
0x8c: {  	_ =	shalt  }

</sc_bundles>
